<compile_context>
chip_gen: v7x
topology: tpu7x:2x2x1
jax: 0.10.2.dev20260603
libtpu: 0.0.44.dev20260713+nightly
codegen_flags: <defaults>
</compile_context>

<pallas_src>
import functools

import jax
import jax.numpy as jnp
from jax import lax
from jax.experimental import pallas as pl
from jax.experimental.pallas import tpu as pltpu
from jax.experimental.pallas import tpu_sc as plsc

_B = 16384
_D = 128
_V = 512
_NC = 2
_NS = 16
_NW = _NC * _NS
_BPW = _B // _NW
_CH = 128
_NCH = _BPW // _CH
_NB = 4

_BLK = 1024
_NBLK = _B // _BLK


def _sc_body(tab, xi, out, idx_v, bufs, *sems):
    gsems = sems[:_NB]
    wsems = sems[_NB:]
    wid = lax.axis_index("s") * _NC + lax.axis_index("c")
    base = wid * _BPW
    pltpu.sync_copy(xi.at[pl.ds(base, _BPW)], idx_v)

    gh = [None] * _NCH
    wh = [None] * _NCH
    for t in range(_NCH):
        b = t % _NB
        if t >= _NB:
            wh[t - _NB].wait()
        gh[t] = pltpu.async_copy(tab.at[idx_v.at[pl.ds(t * _CH, _CH)]],
                                 bufs.at[b], gsems[b])
        d = t - (_NB - 1)
        if d >= 0:
            gh[d].wait()
            wh[d] = pltpu.async_copy(bufs.at[d % _NB],
                                     out.at[pl.ds(base + d * _CH, _CH)],
                                     wsems[d % _NB])
    for d in range(max(_NCH - (_NB - 1), 0), _NCH):
        gh[d].wait()
        wh[d] = pltpu.async_copy(bufs.at[d % _NB],
                                 out.at[pl.ds(base + d * _CH, _CH)],
                                 wsems[d % _NB])
    for d in range(max(_NCH - _NB, 0), _NCH):
        wh[d].wait()


_sc_gather = functools.partial(
    pl.kernel,
    mesh=plsc.VectorSubcoreMesh(core_axis_name="c", subcore_axis_name="s"),
    out_type=jax.ShapeDtypeStruct((_B, _D), jnp.float32),
    scratch_types=[
        pltpu.VMEM((_BPW,), jnp.int32),
        pltpu.VMEM((_NB, _CH, _D), jnp.float32),
    ] + [pltpu.SemaphoreType.DMA] * (2 * _NB),
)(_sc_body)


def _tc_body(idx_ref, tab_ref, out_ref, hi_s, lo_s):
    @pl.when(pl.program_id(0) == 0)
    def _():
        tab = tab_ref[...]
        hi = tab.astype(jnp.bfloat16)
        hi_s[...] = hi
        lo_s[...] = (tab - hi.astype(jnp.float32)).astype(jnp.bfloat16)

    idx = idx_ref[0, 0, :].astype(jnp.int16).reshape(_BLK, 1)
    vids = lax.broadcasted_iota(jnp.int16, (_BLK, _V), 1)
    onehot = jnp.where(vids == idx, jnp.bfloat16(1), jnp.bfloat16(0))
    dn = (((1,), (0,)), ((), ()))
    acc = jax.lax.dot_general(onehot, hi_s[...], dimension_numbers=dn,
                              preferred_element_type=jnp.float32)
    acc += jax.lax.dot_general(onehot, lo_s[...], dimension_numbers=dn,
                               preferred_element_type=jnp.float32)
    out_ref[...] = acc


_tc_lookup = pl.pallas_call(
    _tc_body,
    grid=(_NBLK,),
    in_specs=[
        pl.BlockSpec((1, 1, _BLK), lambda i: (i, 0, 0)),
        pl.BlockSpec((_V, _D), lambda i: (0, 0)),
    ],
    out_specs=pl.BlockSpec((_BLK, _D), lambda i: (i, 0)),
    out_shape=jax.ShapeDtypeStruct((_B, _D), jnp.float32),
    scratch_shapes=[
        pltpu.VMEM((_V, _D), jnp.bfloat16),
        pltpu.VMEM((_V, _D), jnp.bfloat16),
    ],
)


@jax.jit
def kernel(x, y, row_table, col_table):
    xf = x.reshape(-1).astype(jnp.int32)
    y3 = y.astype(jnp.int32).reshape(_NBLK, 1, _BLK)
    row = _sc_gather(row_table, xf)
    col = _tc_lookup(y3, col_table)
    return row, col

# --- scband reference (transcript-rebuilt; emitter-appended) ---
"""Pipeline reference for scband-ginka-pos-embedding-3564822855936 (READ-ONLY COPY).

The authoritative reference and input builder live on the scoring server;
editing this copy changes nothing except your own understanding.
"""

import jax, jax.numpy as jnp
import numpy as np

WIDTH = 512
HEIGHT = 512
EMBED_DIM = 128
BATCH = 16384


def setup_inputs(seed: int = 0) -> dict:
    key = jax.random.key(seed)
    k1, k2, k3, k4 = jax.random.split(key, 4)
    x = jax.random.randint(k1, (BATCH, 1), 0, WIDTH, dtype=jnp.int64 if jax.config.jax_enable_x64 else jnp.int32)
    y = jax.random.randint(k2, (BATCH, 1), 0, HEIGHT, dtype=jnp.int64 if jax.config.jax_enable_x64 else jnp.int32)
    row_table = jax.random.normal(k3, (WIDTH, EMBED_DIM), dtype=jnp.float32)
    col_table = jax.random.normal(k4, (HEIGHT, EMBED_DIM), dtype=jnp.float32)
    return {"x": x, "y": y, "row_table": row_table, "col_table": col_table}


def reference(x, y, row_table, col_table):
    # row_embedding(x).squeeze(1)
    row = jnp.take(row_table, x, axis=0)  # [B, 1, D]
    row = jnp.squeeze(row, axis=1)        # [B, D]
    # col_embedding(y).squeeze(1)
    col = jnp.take(col_table, y, axis=0)  # [B, 1, D]
    col = jnp.squeeze(col, axis=1)        # [B, D]
    return (row, col)

if __name__ == "__main__":
    import jax
    _d = setup_inputs()
    print(jax.jit(kernel)(*tuple(_d.values())))

</pallas_src>

<mosaic_0001>
#map = affine_map<(d0, d1) -> (0, 0)>
#map1 = affine_map<(d0, d1) -> (0)>
module attributes {stable_mosaic.version = 14 : i64} {
  func.func @_sc_body(%arg0: i32, %arg1: i32, %arg2: memref<512x128xf32, #tpu.memory_space<hbm>>, %arg3: memref<16384xi32, #tpu.memory_space<hbm>>, %arg4: memref<16384x128xf32, #tpu.memory_space<hbm>>, %arg5: memref<512xi32, #tpu.memory_space<vmem>>, %arg6: memref<4x128x128xf32, #tpu.memory_space<vmem>>, %arg7: memref<!tpu.dma_semaphore, #tpu.memory_space<semaphore_mem>>, %arg8: memref<!tpu.dma_semaphore, #tpu.memory_space<semaphore_mem>>, %arg9: memref<!tpu.dma_semaphore, #tpu.memory_space<semaphore_mem>>, %arg10: memref<!tpu.dma_semaphore, #tpu.memory_space<semaphore_mem>>, %arg11: memref<!tpu.dma_semaphore, #tpu.memory_space<semaphore_mem>>, %arg12: memref<!tpu.dma_semaphore, #tpu.memory_space<semaphore_mem>>, %arg13: memref<!tpu.dma_semaphore, #tpu.memory_space<semaphore_mem>>, %arg14: memref<!tpu.dma_semaphore, #tpu.memory_space<semaphore_mem>>) attributes {dimension_semantics = [#tpu.dimension_semantics<core_parallel>, #tpu.dimension_semantics<subcore_parallel>], iteration_bounds = array<i64: 2, 16>, scalar_prefetch = 0 : i64, scratch_operands = 10 : i64, tpu.core_type = #tpu.core_type<sc_vector_subcore>, window_params = [{transform_indices = #map}, {transform_indices = #map1}, {transform_indices = #map}]} {
    %mul3A = arith.constant 2 : i32
    %mul3A_0 = arith.muli %arg1, %mul3A : i32
    %add3A = arith.addi %mul3A_0, %arg0 : i32
    %mul3A_1 = arith.constant 512 : i32
    %mul3A_2 = arith.muli %add3A, %mul3A_1 : i32
    "tpu.region"() ({
      %run_scoped3A = tpu.sem_alloc : memref<!tpu.dma_semaphore, #tpu.memory_space<semaphore_mem>>
      %dma_start3A_193 = tpu.memref_slice %arg3[%mul3A_2] : memref<16384xi32, #tpu.memory_space<hbm>> -> memref<512xi32, #tpu.memory_space<hbm>>
      %dma_start3A_194 = tpu.memref_slice %arg3[%mul3A_2] : memref<16384xi32, #tpu.memory_space<hbm>> -> memref<512xi32, #tpu.memory_space<hbm>>
      tpu.enqueue_dma source(%dma_start3A_194 : memref<512xi32, #tpu.memory_space<hbm>>) target(%arg5 : memref<512xi32, #tpu.memory_space<vmem>>) target_semaphore(%run_scoped3A : memref<!tpu.dma_semaphore, #tpu.memory_space<semaphore_mem>>)
      %dma_wait3A_195 = tpu.memref_slice %arg3[%mul3A_2] : memref<16384xi32, #tpu.memory_space<hbm>> -> memref<512xi32, #tpu.memory_space<hbm>>
      %dma_wait3A_196 = tpu.memref_slice %arg3[%mul3A_2] : memref<16384xi32, #tpu.memory_space<hbm>> -> memref<512xi32, #tpu.memory_space<hbm>>
      tpu.wait_dma2 semaphore(%run_scoped3A : memref<!tpu.dma_semaphore, #tpu.memory_space<semaphore_mem>>) src(%dma_wait3A_196 : memref<512xi32, #tpu.memory_space<hbm>>) dst(%arg5 : memref<512xi32, #tpu.memory_space<vmem>>)
      tpu.yield
    }) : () -> ()
    %dma_start3A = arith.constant 0 : i32
    %dma_start3A_3 = arith.constant 0 : i32
    %dma_start3A_4 = arith.constant 0 : i32
    %dma_start3A_5 = tpu.memref_slice %arg6[%dma_start3A, %dma_start3A_3, %dma_start3A_4] : memref<4x128x128xf32, #tpu.memory_space<vmem>> -> memref<1x128x128xf32, #tpu.memory_space<vmem>>
    %dma_start3A_6 = tpu.memref_squeeze %dma_start3A_5 : memref<1x128x128xf32, #tpu.memory_space<vmem>> -> memref<128x128xf32, #tpu.memory_space<vmem>>
    %dma_start3A_7 = arith.constant 0 : i32
    %dma_start3A_8 = tpu.memref_slice %arg5[%dma_start3A_7] : memref<512xi32, #tpu.memory_space<vmem>> -> memref<128xi32, #tpu.memory_space<vmem>>
    %dma_start3A_9 = arith.constant 0 : i32
    %dma_start3A_10 = arith.constant 0 : i32
    %dma_start3A_11 = tpu.memref_slice %arg2[%dma_start3A_9, %dma_start3A_10] : memref<512x128xf32, #tpu.memory_space<hbm>> -> memref<512x128xf32, #tpu.memory_space<hbm>>
    tpu.enqueue_indirect_dma source(%dma_start3A_11 : memref<512x128xf32, #tpu.memory_space<hbm>>) target(%dma_start3A_6 : memref<128x128xf32, #tpu.memory_space<vmem>>) offsets(%dma_start3A_8 : memref<128xi32, #tpu.memory_space<vmem>>) semaphore(%arg7 : memref<!tpu.dma_semaphore, #tpu.memory_space<semaphore_mem>>)
    %dma_start3A_12 = arith.constant 1 : i32
    %dma_start3A_13 = arith.constant 0 : i32
    %dma_start3A_14 = arith.constant 0 : i32
    %dma_start3A_15 = tpu.memref_slice %arg6[%dma_start3A_12, %dma_start3A_13, %dma_start3A_14] : memref<4x128x128xf32, #tpu.memory_space<vmem>> -> memref<1x128x128xf32, #tpu.memory_space<vmem>>
    %dma_start3A_16 = tpu.memref_squeeze %dma_start3A_15 : memref<1x128x128xf32, #tpu.memory_space<vmem>> -> memref<128x128xf32, #tpu.memory_space<vmem>>
    %dma_start3A_17 = arith.constant 128 : i32
    %dma_start3A_18 = tpu.memref_slice %arg5[%dma_start3A_17] : memref<512xi32, #tpu.memory_space<vmem>> -> memref<128xi32, #tpu.memory_space<vmem>>
    %dma_start3A_19 = arith.constant 0 : i32
    %dma_start3A_20 = arith.constant 0 : i32
    %dma_start3A_21 = tpu.memref_slice %arg2[%dma_start3A_19, %dma_start3A_20] : memref<512x128xf32, #tpu.memory_space<hbm>> -> memref<512x128xf32, #tpu.memory_space<hbm>>
    tpu.enqueue_indirect_dma source(%dma_start3A_21 : memref<512x128xf32, #tpu.memory_space<hbm>>) target(%dma_start3A_16 : memref<128x128xf32, #tpu.memory_space<vmem>>) offsets(%dma_start3A_18 : memref<128xi32, #tpu.memory_space<vmem>>) semaphore(%arg8 : memref<!tpu.dma_semaphore, #tpu.memory_space<semaphore_mem>>)
    %dma_start3A_22 = arith.constant 2 : i32
    %dma_start3A_23 = arith.constant 0 : i32
    %dma_start3A_24 = arith.constant 0 : i32
    %dma_start3A_25 = tpu.memref_slice %arg6[%dma_start3A_22, %dma_start3A_23, %dma_start3A_24] : memref<4x128x128xf32, #tpu.memory_space<vmem>> -> memref<1x128x128xf32, #tpu.memory_space<vmem>>
    %dma_start3A_26 = tpu.memref_squeeze %dma_start3A_25 : memref<1x128x128xf32, #tpu.memory_space<vmem>> -> memref<128x128xf32, #tpu.memory_space<vmem>>
    %dma_start3A_27 = arith.constant 256 : i32
    %dma_start3A_28 = tpu.memref_slice %arg5[%dma_start3A_27] : memref<512xi32, #tpu.memory_space<vmem>> -> memref<128xi32, #tpu.memory_space<vmem>>
    %dma_start3A_29 = arith.constant 0 : i32
    %dma_start3A_30 = arith.constant 0 : i32
    %dma_start3A_31 = tpu.memref_slice %arg2[%dma_start3A_29, %dma_start3A_30] : memref<512x128xf32, #tpu.memory_space<hbm>> -> memref<512x128xf32, #tpu.memory_space<hbm>>
    tpu.enqueue_indirect_dma source(%dma_start3A_31 : memref<512x128xf32, #tpu.memory_space<hbm>>) target(%dma_start3A_26 : memref<128x128xf32, #tpu.memory_space<vmem>>) offsets(%dma_start3A_28 : memref<128xi32, #tpu.memory_space<vmem>>) semaphore(%arg9 : memref<!tpu.dma_semaphore, #tpu.memory_space<semaphore_mem>>)
    %dma_start3A_32 = arith.constant 3 : i32
    %dma_start3A_33 = arith.constant 0 : i32
    %dma_start3A_34 = arith.constant 0 : i32
    %dma_start3A_35 = tpu.memref_slice %arg6[%dma_start3A_32, %dma_start3A_33, %dma_start3A_34] : memref<4x128x128xf32, #tpu.memory_space<vmem>> -> memref<1x128x128xf32, #tpu.memory_space<vmem>>
    %dma_start3A_36 = tpu.memref_squeeze %dma_start3A_35 : memref<1x128x128xf32, #tpu.memory_space<vmem>> -> memref<128x128xf32, #tpu.memory_space<vmem>>
    %dma_start3A_37 = arith.constant 384 : i32
    %dma_start3A_38 = tpu.memref_slice %arg5[%dma_start3A_37] : memref<512xi32, #tpu.memory_space<vmem>> -> memref<128xi32, #tpu.memory_space<vmem>>
    %dma_start3A_39 = arith.constant 0 : i32
    %dma_start3A_40 = arith.constant 0 : i32
    %dma_start3A_41 = tpu.memref_slice %arg2[%dma_start3A_39, %dma_start3A_40] : memref<512x128xf32, #tpu.memory_space<hbm>> -> memref<512x128xf32, #tpu.memory_space<hbm>>
    tpu.enqueue_indirect_dma source(%dma_start3A_41 : memref<512x128xf32, #tpu.memory_space<hbm>>) target(%dma_start3A_36 : memref<128x128xf32, #tpu.memory_space<vmem>>) offsets(%dma_start3A_38 : memref<128xi32, #tpu.memory_space<vmem>>) semaphore(%arg10 : memref<!tpu.dma_semaphore, #tpu.memory_space<semaphore_mem>>)
    %dma_wait3A = arith.constant 0 : i32
    %dma_wait3A_42 = arith.constant 0 : i32
    %dma_wait3A_43 = arith.constant 0 : i32
    %dma_wait3A_44 = tpu.memref_slice %arg6[%dma_wait3A, %dma_wait3A_42, %dma_wait3A_43] : memref<4x128x128xf32, #tpu.memory_space<vmem>> -> memref<1x128x128xf32, #tpu.memory_space<vmem>>
    %dma_wait3A_45 = tpu.memref_squeeze %dma_wait3A_44 : memref<1x128x128xf32, #tpu.memory_space<vmem>> -> memref<128x128xf32, #tpu.memory_space<vmem>>
    %dma_wait3A_46 = arith.constant 0 : i32
    %dma_wait3A_47 = tpu.memref_slice %arg5[%dma_wait3A_46] : memref<512xi32, #tpu.memory_space<vmem>> -> memref<128xi32, #tpu.memory_space<vmem>>
    %dma_wait3A_48 = arith.constant 0 : i32
    %dma_wait3A_49 = arith.constant 0 : i32
    %dma_wait3A_50 = tpu.memref_slice %arg2[%dma_wait3A_48, %dma_wait3A_49] : memref<512x128xf32, #tpu.memory_space<hbm>> -> memref<512x128xf32, #tpu.memory_space<hbm>>
    tpu.wait_indirect_dma semaphore(%arg7 : memref<!tpu.dma_semaphore, #tpu.memory_space<semaphore_mem>>) src(%dma_wait3A_50 : memref<512x128xf32, #tpu.memory_space<hbm>>) dst(%dma_wait3A_45 : memref<128x128xf32, #tpu.memory_space<vmem>>)
    %add3A_51 = arith.constant 0 : i32
    %add3A_52 = arith.addi %mul3A_2, %add3A_51 : i32
    %dma_start3A_53 = arith.constant 0 : i32
    %dma_start3A_54 = arith.constant 0 : i32
    %dma_start3A_55 = arith.constant 0 : i32
    %dma_start3A_56 = tpu.memref_slice %arg6[%dma_start3A_53, %dma_start3A_54, %dma_start3A_55] : memref<4x128x128xf32, #tpu.memory_space<vmem>> -> memref<1x128x128xf32, #tpu.memory_space<vmem>>
    %dma_start3A_57 = tpu.memref_squeeze %dma_start3A_56 : memref<1x128x128xf32, #tpu.memory_space<vmem>> -> memref<128x128xf32, #tpu.memory_space<vmem>>
    %dma_start3A_58 = arith.constant 0 : i32
    %dma_start3A_59 = tpu.memref_slice %arg4[%add3A_52, %dma_start3A_58] : memref<16384x128xf32, #tpu.memory_space<hbm>> -> memref<128x128xf32, #tpu.memory_space<hbm>>
    %dma_start3A_60 = arith.constant 0 : i32
    %dma_start3A_61 = tpu.memref_slice %arg4[%add3A_52, %dma_start3A_60] : memref<16384x128xf32, #tpu.memory_space<hbm>> -> memref<128x128xf32, #tpu.memory_space<hbm>>
    %dma_start3A_62 = arith.constant 0 : i32
    %dma_start3A_63 = arith.constant 0 : i32
    %dma_start3A_64 = tpu.memref_slice %arg6[%dma_start3A_53, %dma_start3A_62, %dma_start3A_63] : memref<4x128x128xf32, #tpu.memory_space<vmem>> -> memref<1x128x128xf32, #tpu.memory_space<vmem>>
    %dma_start3A_65 = tpu.memref_squeeze %dma_start3A_64 : memref<1x128x128xf32, #tpu.memory_space<vmem>> -> memref<128x128xf32, #tpu.memory_space<vmem>>
    tpu.enqueue_dma source(%dma_start3A_65 : memref<128x128xf32, #tpu.memory_space<vmem>>) target(%dma_start3A_61 : memref<128x128xf32, #tpu.memory_space<hbm>>) target_semaphore(%arg11 : memref<!tpu.dma_semaphore, #tpu.memory_space<semaphore_mem>>)
    %dma_wait3A_66 = arith.constant 1 : i32
    %dma_wait3A_67 = arith.constant 0 : i32
    %dma_wait3A_68 = arith.constant 0 : i32
    %dma_wait3A_69 = tpu.memref_slice %arg6[%dma_wait3A_66, %dma_wait3A_67, %dma_wait3A_68] : memref<4x128x128xf32, #tpu.memory_space<vmem>> -> memref<1x128x128xf32, #tpu.memory_space<vmem>>
    %dma_wait3A_70 = tpu.memref_squeeze %dma_wait3A_69 : memref<1x128x128xf32, #tpu.memory_space<vmem>> -> memref<128x128xf32, #tpu.memory_space<vmem>>
    %dma_wait3A_71 = arith.constant 128 : i32
    %dma_wait3A_72 = tpu.memref_slice %arg5[%dma_wait3A_71] : memref<512xi32, #tpu.memory_space<vmem>> -> memref<128xi32, #tpu.memory_space<vmem>>
    %dma_wait3A_73 = arith.constant 0 : i32
    %dma_wait3A_74 = arith.constant 0 : i32
    %dma_wait3A_75 = tpu.memref_slice %arg2[%dma_wait3A_73, %dma_wait3A_74] : memref<512x128xf32, #tpu.memory_space<hbm>> -> memref<512x128xf32, #tpu.memory_space<hbm>>
    tpu.wait_indirect_dma semaphore(%arg8 : memref<!tpu.dma_semaphore, #tpu.memory_space<semaphore_mem>>) src(%dma_wait3A_75 : memref<512x128xf32, #tpu.memory_space<hbm>>) dst(%dma_wait3A_70 : memref<128x128xf32, #tpu.memory_space<vmem>>)
    %add3A_76 = arith.constant 128 : i32
    %add3A_77 = arith.addi %mul3A_2, %add3A_76 : i32
    %dma_start3A_78 = arith.constant 1 : i32
    %dma_start3A_79 = arith.constant 0 : i32
    %dma_start3A_80 = arith.constant 0 : i32
    %dma_start3A_81 = tpu.memref_slice %arg6[%dma_start3A_78, %dma_start3A_79, %dma_start3A_80] : memref<4x128x128xf32, #tpu.memory_space<vmem>> -> memref<1x128x128xf32, #tpu.memory_space<vmem>>
    %dma_start3A_82 = tpu.memref_squeeze %dma_start3A_81 : memref<1x128x128xf32, #tpu.memory_space<vmem>> -> memref<128x128xf32, #tpu.memory_space<vmem>>
    %dma_start3A_83 = arith.constant 0 : i32
    %dma_start3A_84 = tpu.memref_slice %arg4[%add3A_77, %dma_start3A_83] : memref<16384x128xf32, #tpu.memory_space<hbm>> -> memref<128x128xf32, #tpu.memory_space<hbm>>
    %dma_start3A_85 = arith.constant 0 : i32
    %dma_start3A_86 = tpu.memref_slice %arg4[%add3A_77, %dma_start3A_85] : memref<16384x128xf32, #tpu.memory_space<hbm>> -> memref<128x128xf32, #tpu.memory_space<hbm>>
    %dma_start3A_87 = arith.constant 0 : i32
    %dma_start3A_88 = arith.constant 0 : i32
    %dma_start3A_89 = tpu.memref_slice %arg6[%dma_start3A_78, %dma_start3A_87, %dma_start3A_88] : memref<4x128x128xf32, #tpu.memory_space<vmem>> -> memref<1x128x128xf32, #tpu.memory_space<vmem>>
    %dma_start3A_90 = tpu.memref_squeeze %dma_start3A_89 : memref<1x128x128xf32, #tpu.memory_space<vmem>> -> memref<128x128xf32, #tpu.memory_space<vmem>>
    tpu.enqueue_dma source(%dma_start3A_90 : memref<128x128xf32, #tpu.memory_space<vmem>>) target(%dma_start3A_86 : memref<128x128xf32, #tpu.memory_space<hbm>>) target_semaphore(%arg12 : memref<!tpu.dma_semaphore, #tpu.memory_space<semaphore_mem>>)
    %dma_wait3A_91 = arith.constant 2 : i32
    %dma_wait3A_92 = arith.constant 0 : i32
    %dma_wait3A_93 = arith.constant 0 : i32
    %dma_wait3A_94 = tpu.memref_slice %arg6[%dma_wait3A_91, %dma_wait3A_92, %dma_wait3A_93] : memref<4x128x128xf32, #tpu.memory_space<vmem>> -> memref<1x128x128xf32, #tpu.memory_space<vmem>>
    %dma_wait3A_95 = tpu.memref_squeeze %dma_wait3A_94 : memref<1x128x128xf32, #tpu.memory_space<vmem>> -> memref<128x128xf32, #tpu.memory_space<vmem>>
    %dma_wait3A_96 = arith.constant 256 : i32
    %dma_wait3A_97 = tpu.memref_slice %arg5[%dma_wait3A_96] : memref<512xi32, #tpu.memory_space<vmem>> -> memref<128xi32, #tpu.memory_space<vmem>>
    %dma_wait3A_98 = arith.constant 0 : i32
    %dma_wait3A_99 = arith.constant 0 : i32
    %dma_wait3A_100 = tpu.memref_slice %arg2[%dma_wait3A_98, %dma_wait3A_99] : memref<512x128xf32, #tpu.memory_space<hbm>> -> memref<512x128xf32, #tpu.memory_space<hbm>>
    tpu.wait_indirect_dma semaphore(%arg9 : memref<!tpu.dma_semaphore, #tpu.memory_space<semaphore_mem>>) src(%dma_wait3A_100 : memref<512x128xf32, #tpu.memory_space<hbm>>) dst(%dma_wait3A_95 : memref<128x128xf32, #tpu.memory_space<vmem>>)
    %add3A_101 = arith.constant 256 : i32
    %add3A_102 = arith.addi %mul3A_2, %add3A_101 : i32
    %dma_start3A_103 = arith.constant 2 : i32
    %dma_start3A_104 = arith.constant 0 : i32
    %dma_start3A_105 = arith.constant 0 : i32
    %dma_start3A_106 = tpu.memref_slice %arg6[%dma_start3A_103, %dma_start3A_104, %dma_start3A_105] : memref<4x128x128xf32, #tpu.memory_space<vmem>> -> memref<1x128x128xf32, #tpu.memory_space<vmem>>
    %dma_start3A_107 = tpu.memref_squeeze %dma_start3A_106 : memref<1x128x128xf32, #tpu.memory_space<vmem>> -> memref<128x128xf32, #tpu.memory_space<vmem>>
    %dma_start3A_108 = arith.constant 0 : i32
    %dma_start3A_109 = tpu.memref_slice %arg4[%add3A_102, %dma_start3A_108] : memref<16384x128xf32, #tpu.memory_space<hbm>> -> memref<128x128xf32, #tpu.memory_space<hbm>>
    %dma_start3A_110 = arith.constant 0 : i32
    %dma_start3A_111 = tpu.memref_slice %arg4[%add3A_102, %dma_start3A_110] : memref<16384x128xf32, #tpu.memory_space<hbm>> -> memref<128x128xf32, #tpu.memory_space<hbm>>
    %dma_start3A_112 = arith.constant 0 : i32
    %dma_start3A_113 = arith.constant 0 : i32
    %dma_start3A_114 = tpu.memref_slice %arg6[%dma_start3A_103, %dma_start3A_112, %dma_start3A_113] : memref<4x128x128xf32, #tpu.memory_space<vmem>> -> memref<1x128x128xf32, #tpu.memory_space<vmem>>
    %dma_start3A_115 = tpu.memref_squeeze %dma_start3A_114 : memref<1x128x128xf32, #tpu.memory_space<vmem>> -> memref<128x128xf32, #tpu.memory_space<vmem>>
    tpu.enqueue_dma source(%dma_start3A_115 : memref<128x128xf32, #tpu.memory_space<vmem>>) target(%dma_start3A_111 : memref<128x128xf32, #tpu.memory_space<hbm>>) target_semaphore(%arg13 : memref<!tpu.dma_semaphore, #tpu.memory_space<semaphore_mem>>)
    %dma_wait3A_116 = arith.constant 3 : i32
    %dma_wait3A_117 = arith.constant 0 : i32
    %dma_wait3A_118 = arith.constant 0 : i32
    %dma_wait3A_119 = tpu.memref_slice %arg6[%dma_wait3A_116, %dma_wait3A_117, %dma_wait3A_118] : memref<4x128x128xf32, #tpu.memory_space<vmem>> -> memref<1x128x128xf32, #tpu.memory_space<vmem>>
    %dma_wait3A_120 = tpu.memref_squeeze %dma_wait3A_119 : memref<1x128x128xf32, #tpu.memory_space<vmem>> -> memref<128x128xf32, #tpu.memory_space<vmem>>
    %dma_wait3A_121 = arith.constant 384 : i32
    %dma_wait3A_122 = tpu.memref_slice %arg5[%dma_wait3A_121] : memref<512xi32, #tpu.memory_space<vmem>> -> memref<128xi32, #tpu.memory_space<vmem>>
    %dma_wait3A_123 = arith.constant 0 : i32
    %dma_wait3A_124 = arith.constant 0 : i32
    %dma_wait3A_125 = tpu.memref_slice %arg2[%dma_wait3A_123, %dma_wait3A_124] : memref<512x128xf32, #tpu.memory_space<hbm>> -> memref<512x128xf32, #tpu.memory_space<hbm>>
    tpu.wait_indirect_dma semaphore(%arg10 : memref<!tpu.dma_semaphore, #tpu.memory_space<semaphore_mem>>) src(%dma_wait3A_125 : memref<512x128xf32, #tpu.memory_space<hbm>>) dst(%dma_wait3A_120 : memref<128x128xf32, #tpu.memory_space<vmem>>)
    %add3A_126 = arith.constant 384 : i32
    %add3A_127 = arith.addi %mul3A_2, %add3A_126 : i32
    %dma_start3A_128 = arith.constant 3 : i32
    %dma_start3A_129 = arith.constant 0 : i32
    %dma_start3A_130 = arith.constant 0 : i32
    %dma_start3A_131 = tpu.memref_slice %arg6[%dma_start3A_128, %dma_start3A_129, %dma_start3A_130] : memref<4x128x128xf32, #tpu.memory_space<vmem>> -> memref<1x128x128xf32, #tpu.memory_space<vmem>>
    %dma_start3A_132 = tpu.memref_squeeze %dma_start3A_131 : memref<1x128x128xf32, #tpu.memory_space<vmem>> -> memref<128x128xf32, #tpu.memory_space<vmem>>
    %dma_start3A_133 = arith.constant 0 : i32
    %dma_start3A_134 = tpu.memref_slice %arg4[%add3A_127, %dma_start3A_133] : memref<16384x128xf32, #tpu.memory_space<hbm>> -> memref<128x128xf32, #tpu.memory_space<hbm>>
    %dma_start3A_135 = arith.constant 0 : i32
    %dma_start3A_136 = tpu.memref_slice %arg4[%add3A_127, %dma_start3A_135] : memref<16384x128xf32, #tpu.memory_space<hbm>> -> memref<128x128xf32, #tpu.memory_space<hbm>>
    %dma_start3A_137 = arith.constant 0 : i32
    %dma_start3A_138 = arith.constant 0 : i32
    %dma_start3A_139 = tpu.memref_slice %arg6[%dma_start3A_128, %dma_start3A_137, %dma_start3A_138] : memref<4x128x128xf32, #tpu.memory_space<vmem>> -> memref<1x128x128xf32, #tpu.memory_space<vmem>>
    %dma_start3A_140 = tpu.memref_squeeze %dma_start3A_139 : memref<1x128x128xf32, #tpu.memory_space<vmem>> -> memref<128x128xf32, #tpu.memory_space<vmem>>
    tpu.enqueue_dma source(%dma_start3A_140 : memref<128x128xf32, #tpu.memory_space<vmem>>) target(%dma_start3A_136 : memref<128x128xf32, #tpu.memory_space<hbm>>) target_semaphore(%arg14 : memref<!tpu.dma_semaphore, #tpu.memory_space<semaphore_mem>>)
    %dma_wait3A_141 = arith.constant 0 : i32
    %dma_wait3A_142 = arith.constant 0 : i32
    %dma_wait3A_143 = arith.constant 0 : i32
    %dma_wait3A_144 = tpu.memref_slice %arg6[%dma_wait3A_141, %dma_wait3A_142, %dma_wait3A_143] : memref<4x128x128xf32, #tpu.memory_space<vmem>> -> memref<1x128x128xf32, #tpu.memory_space<vmem>>
    %dma_wait3A_145 = tpu.memref_squeeze %dma_wait3A_144 : memref<1x128x128xf32, #tpu.memory_space<vmem>> -> memref<128x128xf32, #tpu.memory_space<vmem>>
    %dma_wait3A_146 = arith.constant 0 : i32
    %dma_wait3A_147 = tpu.memref_slice %arg4[%add3A_52, %dma_wait3A_146] : memref<16384x128xf32, #tpu.memory_space<hbm>> -> memref<128x128xf32, #tpu.memory_space<hbm>>
    %dma_wait3A_148 = arith.constant 0 : i32
    %dma_wait3A_149 = tpu.memref_slice %arg4[%add3A_52, %dma_wait3A_148] : memref<16384x128xf32, #tpu.memory_space<hbm>> -> memref<128x128xf32, #tpu.memory_space<hbm>>
    %dma_wait3A_150 = arith.constant 0 : i32
    %dma_wait3A_151 = arith.constant 0 : i32
    %dma_wait3A_152 = tpu.memref_slice %arg6[%dma_wait3A_141, %dma_wait3A_150, %dma_wait3A_151] : memref<4x128x128xf32, #tpu.memory_space<vmem>> -> memref<1x128x128xf32, #tpu.memory_space<vmem>>
    %dma_wait3A_153 = tpu.memref_squeeze %dma_wait3A_152 : memref<1x128x128xf32, #tpu.memory_space<vmem>> -> memref<128x128xf32, #tpu.memory_space<vmem>>
    tpu.wait_dma2 semaphore(%arg11 : memref<!tpu.dma_semaphore, #tpu.memory_space<semaphore_mem>>) src(%dma_wait3A_153 : memref<128x128xf32, #tpu.memory_space<vmem>>) dst(%dma_wait3A_149 : memref<128x128xf32, #tpu.memory_space<hbm>>)
    %dma_wait3A_154 = arith.constant 1 : i32
    %dma_wait3A_155 = arith.constant 0 : i32
    %dma_wait3A_156 = arith.constant 0 : i32
    %dma_wait3A_157 = tpu.memref_slice %arg6[%dma_wait3A_154, %dma_wait3A_155, %dma_wait3A_156] : memref<4x128x128xf32, #tpu.memory_space<vmem>> -> memref<1x128x128xf32, #tpu.memory_space<vmem>>
    %dma_wait3A_158 = tpu.memref_squeeze %dma_wait3A_157 : memref<1x128x128xf32, #tpu.memory_space<vmem>> -> memref<128x128xf32, #tpu.memory_space<vmem>>
    %dma_wait3A_159 = arith.constant 0 : i32
    %dma_wait3A_160 = tpu.memref_slice %arg4[%add3A_77, %dma_wait3A_159] : memref<16384x128xf32, #tpu.memory_space<hbm>> -> memref<128x128xf32, #tpu.memory_space<hbm>>
    %dma_wait3A_161 = arith.constant 0 : i32
    %dma_wait3A_162 = tpu.memref_slice %arg4[%add3A_77, %dma_wait3A_161] : memref<16384x128xf32, #tpu.memory_space<hbm>> -> memref<128x128xf32, #tpu.memory_space<hbm>>
    %dma_wait3A_163 = arith.constant 0 : i32
    %dma_wait3A_164 = arith.constant 0 : i32
    %dma_wait3A_165 = tpu.memref_slice %arg6[%dma_wait3A_154, %dma_wait3A_163, %dma_wait3A_164] : memref<4x128x128xf32, #tpu.memory_space<vmem>> -> memref<1x128x128xf32, #tpu.memory_space<vmem>>
    %dma_wait3A_166 = tpu.memref_squeeze %dma_wait3A_165 : memref<1x128x128xf32, #tpu.memory_space<vmem>> -> memref<128x128xf32, #tpu.memory_space<vmem>>
    tpu.wait_dma2 semaphore(%arg12 : memref<!tpu.dma_semaphore, #tpu.memory_space<semaphore_mem>>) src(%dma_wait3A_166 : memref<128x128xf32, #tpu.memory_space<vmem>>) dst(%dma_wait3A_162 : memref<128x128xf32, #tpu.memory_space<hbm>>)
    %dma_wait3A_167 = arith.constant 2 : i32
    %dma_wait3A_168 = arith.constant 0 : i32
    %dma_wait3A_169 = arith.constant 0 : i32
    %dma_wait3A_170 = tpu.memref_slice %arg6[%dma_wait3A_167, %dma_wait3A_168, %dma_wait3A_169] : memref<4x128x128xf32, #tpu.memory_space<vmem>> -> memref<1x128x128xf32, #tpu.memory_space<vmem>>
    %dma_wait3A_171 = tpu.memref_squeeze %dma_wait3A_170 : memref<1x128x128xf32, #tpu.memory_space<vmem>> -> memref<128x128xf32, #tpu.memory_space<vmem>>
    %dma_wait3A_172 = arith.constant 0 : i32
    %dma_wait3A_173 = tpu.memref_slice %arg4[%add3A_102, %dma_wait3A_172] : memref<16384x128xf32, #tpu.memory_space<hbm>> -> memref<128x128xf32, #tpu.memory_space<hbm>>
    %dma_wait3A_174 = arith.constant 0 : i32
    %dma_wait3A_175 = tpu.memref_slice %arg4[%add3A_102, %dma_wait3A_174] : memref<16384x128xf32, #tpu.memory_space<hbm>> -> memref<128x128xf32, #tpu.memory_space<hbm>>
    %dma_wait3A_176 = arith.constant 0 : i32
    %dma_wait3A_177 = arith.constant 0 : i32
    %dma_wait3A_178 = tpu.memref_slice %arg6[%dma_wait3A_167, %dma_wait3A_176, %dma_wait3A_177] : memref<4x128x128xf32, #tpu.memory_space<vmem>> -> memref<1x128x128xf32, #tpu.memory_space<vmem>>
    %dma_wait3A_179 = tpu.memref_squeeze %dma_wait3A_178 : memref<1x128x128xf32, #tpu.memory_space<vmem>> -> memref<128x128xf32, #tpu.memory_space<vmem>>
    tpu.wait_dma2 semaphore(%arg13 : memref<!tpu.dma_semaphore, #tpu.memory_space<semaphore_mem>>) src(%dma_wait3A_179 : memref<128x128xf32, #tpu.memory_space<vmem>>) dst(%dma_wait3A_175 : memref<128x128xf32, #tpu.memory_space<hbm>>)
    %dma_wait3A_180 = arith.constant 3 : i32
    %dma_wait3A_181 = arith.constant 0 : i32
    %dma_wait3A_182 = arith.constant 0 : i32
    %dma_wait3A_183 = tpu.memref_slice %arg6[%dma_wait3A_180, %dma_wait3A_181, %dma_wait3A_182] : memref<4x128x128xf32, #tpu.memory_space<vmem>> -> memref<1x128x128xf32, #tpu.memory_space<vmem>>
    %dma_wait3A_184 = tpu.memref_squeeze %dma_wait3A_183 : memref<1x128x128xf32, #tpu.memory_space<vmem>> -> memref<128x128xf32, #tpu.memory_space<vmem>>
    %dma_wait3A_185 = arith.constant 0 : i32
    %dma_wait3A_186 = tpu.memref_slice %arg4[%add3A_127, %dma_wait3A_185] : memref<16384x128xf32, #tpu.memory_space<hbm>> -> memref<128x128xf32, #tpu.memory_space<hbm>>
    %dma_wait3A_187 = arith.constant 0 : i32
    %dma_wait3A_188 = tpu.memref_slice %arg4[%add3A_127, %dma_wait3A_187] : memref<16384x128xf32, #tpu.memory_space<hbm>> -> memref<128x128xf32, #tpu.memory_space<hbm>>
    %dma_wait3A_189 = arith.constant 0 : i32
    %dma_wait3A_190 = arith.constant 0 : i32
    %dma_wait3A_191 = tpu.memref_slice %arg6[%dma_wait3A_180, %dma_wait3A_189, %dma_wait3A_190] : memref<4x128x128xf32, #tpu.memory_space<vmem>> -> memref<1x128x128xf32, #tpu.memory_space<vmem>>
    %dma_wait3A_192 = tpu.memref_squeeze %dma_wait3A_191 : memref<1x128x128xf32, #tpu.memory_space<vmem>> -> memref<128x128xf32, #tpu.memory_space<vmem>>
    tpu.wait_dma2 semaphore(%arg14 : memref<!tpu.dma_semaphore, #tpu.memory_space<semaphore_mem>>) src(%dma_wait3A_192 : memref<128x128xf32, #tpu.memory_space<vmem>>) dst(%dma_wait3A_188 : memref<128x128xf32, #tpu.memory_space<hbm>>)
    return
  }
}

module attributes {stable_mosaic.version = 14 : i64} {
  func.func @_tc_body(%arg0: i32, %arg1: memref<1x1x1024xi32, #tpu.memory_space<vmem>>, %arg2: memref<512x128xf32, #tpu.memory_space<vmem>>, %arg3: memref<1024x128xf32, #tpu.memory_space<vmem>>, %arg4: memref<512x128xbf16, #tpu.memory_space<vmem>>, %arg5: memref<512x128xbf16, #tpu.memory_space<vmem>>) attributes {dimension_semantics = [#tpu.dimension_semantics<arbitrary>], iteration_bounds = array<i64: 16>, scalar_prefetch = 0 : i64, scratch_operands = 2 : i64, tpu.core_type = #tpu.core_type<tc>, window_params = [{transform_indices = @transform_0, window_bounds = array<i64: 1, 1, 1024>}, {pipeline_mode = #tpu.pipeline_mode<synchronous>, transform_indices = @transform_1, window_bounds = array<i64: 512, 128>}, {transform_indices = @transform_2, window_bounds = array<i64: 1024, 128>}]} {
    %eq3A = arith.constant 0 : i32
    %eq3A_0 = arith.cmpi eq, %arg0, %eq3A : i32
    %convert_element_type3A = arith.extui %eq3A_0 : i1 to i32
    %cond3A = arith.constant 0 : i32
    %cond3A_1 = arith.cmpi ne, %convert_element_type3A, %cond3A : i32
    scf.if %cond3A_1 {
      %get3A_22 = arith.constant 0 : index
      %get3A_23 = arith.constant 0 : index
      %get3A_24 = vector.load %arg2[%get3A_22, %get3A_23] : memref<512x128xf32, #tpu.memory_space<vmem>>, vector<512x128xf32>
      %convert_element_type3A_25 = arith.truncf %get3A_24 : vector<512x128xf32> to vector<512x128xbf16>
      %swap3A_26 = arith.constant 0 : index
      %swap3A_27 = arith.constant 0 : index
      %swap3A_28 = vector.load %arg4[%swap3A_26, %swap3A_27] : memref<512x128xbf16, #tpu.memory_space<vmem>>, vector<512x128xbf16>
      tpu.vector_store %arg4[%swap3A_26, %swap3A_27], %convert_element_type3A_25 {strides = array<i32>} : memref<512x128xbf16, #tpu.memory_space<vmem>>, vector<512x128xbf16>,
      %convert_element_type3A_29 = arith.extf %convert_element_type3A_25 : vector<512x128xbf16> to vector<512x128xf32>
      %sub3A = arith.subf %get3A_24, %convert_element_type3A_29 : vector<512x128xf32>
      %convert_element_type3A_30 = arith.truncf %sub3A : vector<512x128xf32> to vector<512x128xbf16>
      %swap3A_31 = arith.constant 0 : index
      %swap3A_32 = arith.constant 0 : index
      %swap3A_33 = vector.load %arg5[%swap3A_31, %swap3A_32] : memref<512x128xbf16, #tpu.memory_space<vmem>>, vector<512x128xbf16>
      tpu.vector_store %arg5[%swap3A_31, %swap3A_32], %convert_element_type3A_30 {strides = array<i32>} : memref<512x128xbf16, #tpu.memory_space<vmem>>, vector<512x128xbf16>,
    } else {
    }
    %get3A = arith.constant 0 : index
    %get3A_2 = arith.constant 0 : index
    %get3A_3 = arith.constant 0 : index
    %get3A_4 = vector.load %arg1[%get3A, %get3A_2, %get3A_3] : memref<1x1x1024xi32, #tpu.memory_space<vmem>>, vector<1x1x1024xi32>
    %get3A_5 = vector.shape_cast %get3A_4 : vector<1x1x1024xi32> to vector<1024xi32>
    %convert_element_type3A_6 = arith.trunci %get3A_5 : vector<1024xi32> to vector<1024xi16>
    %reshape3A = vector.shape_cast %convert_element_type3A_6 : vector<1024xi16> to vector<1024x1xi16>
    %iota3A = tpu.iota {dimensions = array<i32: 1>} : vector<1024x512xi16>
    %eq3A_7 = vector.broadcast %reshape3A : vector<1024x1xi16> to vector<1024x512xi16>
    %eq3A_8 = arith.cmpi eq, %iota3A, %eq3A_7 : vector<1024x512xi16>
    %jit3A = arith.constant 1.000000e+00 : bf16
    %jit3A_9 = arith.constant 0.000000e+00 : bf16
    %broadcast_in_dim3A = vector.broadcast %jit3A : bf16 to vector<1024x512xbf16>
    %broadcast_in_dim3A_10 = vector.broadcast %jit3A_9 : bf16 to vector<1024x512xbf16>
    %select_n3A = arith.select %eq3A_8, %broadcast_in_dim3A, %broadcast_in_dim3A_10 : vector<1024x512xi1>, vector<1024x512xbf16>
    %get3A_11 = arith.constant 0 : index
    %get3A_12 = arith.constant 0 : index
    %get3A_13 = vector.load %arg4[%get3A_11, %get3A_12] : memref<512x128xbf16, #tpu.memory_space<vmem>>, vector<512x128xbf16>
    %dot_general3A = arith.constant dense<0.000000e+00> : vector<1024x128xf32>
    %dot_general3A_14 = tpu.matmul %select_n3A, %get3A_13, %dot_general3A {dimension_numbers = #tpu.dot_dimension_numbers<[1], [0], [0], [1], [0, 0, 1, 1], [], []>, transpose_lhs_hint = false} : vector<1024x512xbf16>, vector<512x128xbf16>, vector<1024x128xf32> -> vector<1024x128xf32>
    %get3A_15 = arith.constant 0 : index
    %get3A_16 = arith.constant 0 : index
    %get3A_17 = vector.load %arg5[%get3A_15, %get3A_16] : memref<512x128xbf16, #tpu.memory_space<vmem>>, vector<512x128xbf16>
    %dot_general3A_18 = arith.constant dense<0.000000e+00> : vector<1024x128xf32>
    %dot_general3A_19 = tpu.matmul %select_n3A, %get3A_17, %dot_general3A_18 {dimension_numbers = #tpu.dot_dimension_numbers<[1], [0], [0], [1], [0, 0, 1, 1], [], []>, transpose_lhs_hint = false} : vector<1024x512xbf16>, vector<512x128xbf16>, vector<1024x128xf32> -> vector<1024x128xf32>
    %add3A = arith.addf %dot_general3A_14, %dot_general3A_19 : vector<1024x128xf32>
    %swap3A = arith.constant 0 : index
    %swap3A_20 = arith.constant 0 : index
    %swap3A_21 = vector.load %arg3[%swap3A, %swap3A_20] : memref<1024x128xf32, #tpu.memory_space<vmem>>, vector<1024x128xf32>
    tpu.vector_store %arg3[%swap3A, %swap3A_20], %add3A {strides = array<i32>} : memref<1024x128xf32, #tpu.memory_space<vmem>>, vector<1024x128xf32>,
    return
  }
  func.func @transform_0(%arg0: i32) -> (i32, i32, i32) {
    %c0_i32 = arith.constant 0 : i32
    %c0_i32_0 = arith.constant 0 : i32
    %c0_i32_1 = arith.constant 0 : i32
    return %arg0, %c0_i32, %c0_i32_0 : i32, i32, i32
  }
  func.func @transform_1(%arg0: i32) -> (i32, i32) {
    %c0_i32 = arith.constant 0 : i32
    %c0_i32_0 = arith.constant 0 : i32
    %c0_i32_1 = arith.constant 0 : i32
    return %c0_i32, %c0_i32_0 : i32, i32
  }
  func.func @transform_2(%arg0: i32) -> (i32, i32) {
    %c0_i32 = arith.constant 0 : i32
    %c0_i32_0 = arith.constant 0 : i32
    return %arg0, %c0_i32 : i32, i32
  }
}

</mosaic_0001>

<sc_bundles>
// kernel: kernel.4.cloned.1.call-start
scs
__scs_entry_jumppad:
0x0: {  	(pc) =	sbr.rel $0x88, $3  }
0x1: {  	(tag) =	ssettag $0x0;
	lr =	simm.s32 $0x1  }
0x2: {  	[smem:$0x3F9D] =	sst lr;
	_ =	strace $0xD0000000  }
0x3: {  	_ = 	snop  }
0x4: {  	_ = 	snop  }
0x5: {  	_ = 	snop  }
0x6: {  	_ = 	snop  }
0x7: {  	_ = 	snop  }
__scs_overlays_trampoline_lowered:
0x8: {  	[smem:$0x3FAC] =	sst s0  }
0x9: {  	[smem:$0x3FAD] =	sst s1  }
0xa: {  	[smem:$0x3FAE] =	sst s2  }
0xb: {  	[smem:$0x3FAF] =	sst s3  }
0xc: {  	[smem:$0x3FB0] =	sst s4  }
0xd: {  	[smem:$0x3FB1] =	sst s5  }
0xe: {  	[smem:$0x3FB2] =	sst s6  }
0xf: {  	[smem:$0x3FB3] =	sst s7  }
0x10: {  	[smem:$0x3FB4] =	sst s8  }
0x11: {  	[smem:$0x3FB5] =	sst s9;
	s0 =	simm.s32 @!p0 $0x0  }
0x12: {  	s1 =	sld [smem:$0x3F9B];
	s0 =	simm.s32 @p0 $0x1  }
0x13: {  	[smem:$0x3FB6] =	sst s0;
	s0 =	simm.s32 @!p1 $0x0  }
0x14: {  	s2 =	sld [smem:$0x3F9A];
	s0 =	simm.s32 @p1 $0x1  }
0x15: {  	[smem:$0x3FB7] =	sst s0;
	s0 =	simm.s32 @!p2 $0x0  }
0x16: {  	s3 =	sld [smem:$0x3FDB];
	s0 =	simm.s32 @p2 $0x1  }
0x17: {  	s4 =	simm.s32 $0x1BF5;
	[smem:$0x3FB9] =	sst s0  }
0x18: {  	s0 =	sld [smem:$0x3F9C];
	_ =	swait.ge [sflag:s4], $0x0  }
0x19: {  	s7 =	sld [smem:$0x3F9D]  }
0x1a: {  	s8 =	sadd.s32 $0xFFFFE003, lr  }
0x1b: {  	s9 =	sadd.s32 $0xFFFFFEF7, lr;
	s5 =	simm.s32 $0xFFFFFFFF;
	p2 =	slt.u32 s8, $0xFFFFF086  }
0x1c: {  	p1 =	slt.u32 s9, $0xF7A;
	s5 =	simm.s32 @!p2 $0x0  }
0x1d: {  	s5 =	simm.s32 @p1 $0x1;
	p0 =	seq.s32 s7, s2  }
0x1e: {  	s7 =	smul.u32 @!p0 $0xF7A, s2;
	p2 =	seq.s32 @!p0 s5, $0x0  }
0x1f: {  	s9 =	smul.u32 $0xF7A, s1;
	s8 =	simm.s32 @!p0 $0x1BF5;
	p2 =	por !p2, p0  }
0x20: {  	[sflag:s8] =	ssyncset.s32 @!p0 $0xFFFFF086;
	s6 =	sadd.s32 @!p0 s3, s7;
	s7 =	simm.s32 @!p0 $0x108  }
0x21: {  	s3 =	sadd.s32 s3, s9;
	s6 =	sadd.s32 @!p0 $0x88, s6;
	s7 =	simm.s32 @p2 $0x1082  }
0x22: {  	[simem:s7], [sflag:s8] =	dma.local @!p0 [hbm:s6], $0xF7A  }
0x23: {  	s9 =	sor.u32 $0xD0000000, s2;
	s6 =	simm.s32 $0x108;
	_ =	swait.ge @!p0 [sflag:s8], $0x0  }
0x24: {  	s3 =	sadd.s32 $0x88, s3;
	s6 =	simm.s32 @!p1 $0x1082;
	[sflag:s4] =	ssyncset.s32 $0xFFFFF086  }
0x25: {  	[simem:s6], [sflag:s4] =	dma.local [hbm:s3], $0xF7A  }
0x26: {  	[smem:$0x3F9D] =	sst s1;
	(tag) =	ssettag s2;
	_ =	strace s9  }
0x27: {  	s1 =	sld [smem:$0x3FAD]  }
0x28: {  	s2 =	sld [smem:$0x3FAE]  }
0x29: {  	s4 =	sld [smem:$0x3FB0]  }
0x2a: {  	p0 =	seq.s32 s5, $0x0;
	s5 =	sld [smem:$0x3FB1]  }
0x2b: {  	s6 =	sld [smem:$0x3FB2]  }
0x2c: {  	s7 =	sld [smem:$0x3FB3]  }
0x2d: {  	s3 =	simm.s32 $0x108;
	s8 =	sld [smem:$0x3FB4]  }
0x2e: {  	s3 =	simm.s32 @!p0 $0x1082;
	s9 =	sld [smem:$0x3FB5]  }
0x2f: {  	lr =	sadd.s32 s0, s3;
	s0 =	sld [smem:$0x3FAC]  }
0x30: {  	s3 =	sld [smem:$0x3FAF]  }
0x31: {  	[smem:$0x3FB8] =	sst s10  }
0x32: {  	s10 =	sld [smem:$0x3FB6];
	_ =	sdelay $0x3  }
0x33: {  	p0 =	seq.s32 s10, $0x1;
	s10 =	sld [smem:$0x3FB8];
	_ =	sdelay $0x3  }
0x34: {  	[smem:$0x3FB8] =	sst s10  }
0x35: {  	s10 =	sld [smem:$0x3FB7];
	_ =	sdelay $0x3  }
0x36: {  	p1 =	seq.s32 s10, $0x1;
	s10 =	sld [smem:$0x3FB8];
	_ =	sdelay $0x3  }
0x37: {  	[smem:$0x3FB8] =	sst s10  }
0x38: {  	s10 =	sld [smem:$0x3FB9]  }
0x39: {  	_ = 	snop;
	(pc) =	sbr.ind lr, $3  }
0x3a: {  	_ = 	snop  }
0x3b: {  	_ = 	snop  }
0x3c: {  	p2 =	seq.s32 s10, $0x1;
	s10 =	sld [smem:$0x3FB8]  }
0x3d: {  	_ =	shalt  }
0x3e: {  	_ =	shalt  }
0x3f: {  	_ =	shalt  }
0x40: {  	_ =	shalt  }
0x41: {  	_ =	shalt  }
0x42: {  	_ =	shalt  }
0x43: {  	_ =	shalt  }
0x44: {  	_ =	shalt  }
0x45: {  	_ =	shalt  }
0x46: {  	_ =	shalt  }
0x47: {  	_ =	shalt  }
0x48: {  	_ =	shalt  }
0x49: {  	_ =	shalt  }
0x4a: {  	_ =	shalt  }
0x4b: {  	_ =	shalt  }
0x4c: {  	_ =	shalt  }
0x4d: {  	_ =	shalt  }
0x4e: {  	_ =	shalt  }
0x4f: {  	_ =	shalt  }
0x50: {  	_ =	shalt  }
0x51: {  	_ =	shalt  }
0x52: {  	_ =	shalt  }
0x53: {  	_ =	shalt  }
0x54: {  	_ =	shalt  }
0x55: {  	_ =	shalt  }
0x56: {  	_ =	shalt  }
0x57: {  	_ =	shalt  }
0x58: {  	_ =	shalt  }
0x59: {  	_ =	shalt  }
0x5a: {  	_ =	shalt  }
0x5b: {  	_ =	shalt  }
0x5c: {  	_ =	shalt  }
0x5d: {  	_ =	shalt  }
0x5e: {  	_ =	shalt  }
0x5f: {  	_ =	shalt  }
0x60: {  	_ =	shalt  }
0x61: {  	_ =	shalt  }
0x62: {  	_ =	shalt  }
0x63: {  	_ =	shalt  }
0x64: {  	_ =	shalt  }
0x65: {  	_ =	shalt  }
0x66: {  	_ =	shalt  }
0x67: {  	_ =	shalt  }
0x68: {  	_ =	shalt  }
0x69: {  	_ =	shalt  }
0x6a: {  	_ =	shalt  }
0x6b: {  	_ =	shalt  }
0x6c: {  	_ =	shalt  }
0x6d: {  	_ =	shalt  }
0x6e: {  	_ =	shalt  }
0x6f: {  	_ =	shalt  }
0x70: {  	_ =	shalt  }
0x71: {  	_ =	shalt  }
0x72: {  	_ =	shalt  }
0x73: {  	_ =	shalt  }
0x74: {  	_ =	shalt  }
0x75: {  	_ =	shalt  }
0x76: {  	_ =	shalt  }
0x77: {  	_ =	shalt  }
0x78: {  	_ =	shalt  }
0x79: {  	_ =	shalt  }
0x7a: {  	_ =	shalt  }
0x7b: {  	_ =	shalt  }
0x7c: {  	_ =	shalt  }
0x7d: {  	_ =	shalt  }
0x7e: {  	_ =	shalt  }
0x7f: {  	_ =	shalt  }
0x80: {  	_ =	shalt  }
0x81: {  	_ =	shalt  }
0x82: {  	_ =	shalt  }
0x83: {  	_ =	shalt  }
0x84: {  	_ =	shalt  }
0x85: {  	_ =	shalt  }
0x86: {  	_ =	shalt  }
0x87: {  	_ =	shalt  }
.Lfunc_end0:
.L_simem_size_0:
called_computation_lowered:
.L_overlay_start_0:
0x88: {  	s2 =	sld [smem:$0x3FD9]  }
0x89: {  	s3 =	sld [smem:$0x3FFE];
	_ =	sdelay $0x1  }
0x8a: {  	s1 =	srdreg.scid  }
0x8b: {  	s0 =	sand.u32 $0x1, s1  }
0x8c: {  	s15 =	sshll.u32 s0, $0xA;
	s2 =	sadd.s32 s3, s2  }
0x8d: {  	s2 =	sadd.s32 s2, s15  }
0x8e: {  	[smem:$0x3FC4] =	sst s2  }
0x8f: {  	_ = 	snop  }
0x90: {  	s2 =	sld [smem:$0x3FD0];
	_ =	sdelay $0x1  }
0x91: {  	s16 =	sld [smem:$0x3FC9]  }
0x92: {  	s5 =	simm.s32 $0xA;
	s6 =	simm.s32 $0x10;
	s4 =	sld [smem:$0x3FC7]  }
0x93: {  	[smem:s6], [sflag:s5] =	dma.local [hbm:s2], $0x1  }
0x94: {  	_ =	swait.eq [sflag:s5], $0x1  }
0x95: {  	[sflag:s5] =	ssyncset.done $0x0  }
0x96: {  	[sflag:s5] =	ssyncadd.s32 $0xFFFFFFFF  }
0x97: {  	s17 =	sld [smem:$0x10];
	(tm) =	ssettm $0x1  }
0x98: {  	s18 =	sld [smem:$0x3FFB];
	_ =	sdelay $0x3  }
0x99: {  	_ =	strace s18  }
0x9a: {  	s5 =	sld [smem:$0x3FFC];
	_ =	sdelay $0x3  }
0x9b: {  	_ =	strace s5  }
0x9c: {  	s5 =	sld [smem:$0x3FFD];
	_ =	sdelay $0x3  }
0x9d: {  	_ =	strace s5  }
0x9e: {  	_ =	strace $0x8FFFFFFF  }
0x9f: {  	s19 =	sld [smem:$0x3FDB];
	_ =	sdelay $0x1  }
0xa0: {  	s20 =	simm.s32 $_scs_section_size  }
0xa1: {  	s7 =	simm.s32 $_size__tile_overlayer_lowered;
	s8 =	simm.s32 $_tile_overlayer_lowered  }
0xa2: {  	s23 =	simm.s32 $0x1BFF;
	s22 =	sshll.u32 s8, $0x1;
	s5 =	sadd.s32 s20, s19  }
0xa3: {  	s9 =	simm.s32 $0x0;
	s21 =	sshll.u32 s7, $0x1;
	s7 =	sadd.s32 s22, s5  }
0xa4: {  	[timem:s9], [sflag:s23] =	dma.local [hbm:s7], s21  }
0xa5: {  	_ =	swait.ge [sflag:s23], s21  }
0xa6: {  	s6 =	ssub.s32 $0x0, s21;
	[sflag:s23] =	ssyncset.done $0x0  }
0xa7: {  	[sflag:s23] =	ssyncadd.s32 s6;
	_ =	sdelay $0x1  }
0xa8: {  	s24 =	simm.s32 $0x1B8B  }
0xa9: {  	_ =	swait.ge [sflag:s24], $0x1  }
0xaa: {  	[sflag:s24] =	ssyncset.done $0x0  }
0xab: {  	s25 =	simm.s32 $0x1B8E;
	[sflag:s24] =	ssyncadd.s32 $0xFFFFFFFF  }
0xac: {  	s26 =	simm.s32 $execute0_lowered;
	[smem:$0x3FD2] =	sst s25  }
0xad: {  	s6 =	sshll.u32 s26, $0x1;
	_ =	strace $0x80000046;
	[dreg:$0x1] =	wrdreg $0xFFFFFFFF  }
0xae: {  	s28 =	simm.s32 $_size_execute0_lowered;
	s5 =	sadd.s32 s5, s6;
	[dreg:$0x0] =	wrdreg $0x0  }
0xaf: {  	s6 =	sshll.u32 s28, $0x1;
	[dreg:$0x2] =	wrdreg s5  }
0xb0: {  	[dreg:$0x3] =	wrdreg s6  }
0xb1: {  	[dreg:$0x4] =	wrdreg $0xC0  }
0xb2: {  	_ =	task [dreg:s9], $0x5FFFF  }
0xb3: {  	[dreg:$0x1] =	wrdreg $0xFFFFFFFF  }
0xb4: {  	[dreg:$0x0] =	wrdreg $0x60  }
0xb5: {  	[dreg:$0x2] =	wrdreg s4  }
0xb6: {  	[dreg:$0x3] =	wrdreg s16  }
0xb7: {  	[dreg:$0x4] =	wrdreg s17  }
0xb8: {  	[dreg:$0x5] =	wrdreg $0x9  }
0xb9: {  	_ =	task.clear_ibuf [dreg:s9], $0x6FFFF;
	_ =	strace $0x90000046  }
0xba: {  	s29 =	simm.s32 $0x9;
	_ =	strace $0x80000048  }
0xbb: {  	_ =	swait.ge [sflag:s29], $0x1  }
0xbc: {  	[sflag:s29] =	ssyncadd.s32 $0xFFFFFFFF  }
0xbd: {  	_ =	strace $0x90000048  }
0xbe: {  	_ =	sfence  }
0xbf: {  	s30 =	sld [smem:$0x0];
	_ =	sdelay $0x2  }
0xc0: {  	s31 =	sshll.u32 s1, $0xD;
	s1 =	sshrl.u32 s1, $0x2  }
0xc1: {  	s3 =	sand.u32 $0x4000, s31;
	s1 =	sadd.s32 s1, s30  }
0xc2: {  	s0 =	sor.u32 s3, s0;
	s1 =	sshll.u32 s1, $0x11  }
0xc3: {  	s0 =	sor.u32 s1, s0  }
0xc4: {  	s0 =	sadd.s32 $0x8F2B, s0  }
0xc5: {  	[sflag:s0] =	ssyncadd.remote.s32 $0x1  }
0xc6: {  	_ =	sfence.sel $0xFFFF  }
0xc7: {  	[dreg:$0x0] =	wrdreg $0xFFFFFFFF;
	(pc) =	sbr.abs _section_cstart, $3  }
0xc8: {  	[dreg:$0x1] =	wrdreg $0xFFFFFFFF  }
0xc9: {  	_ =	task.clear_ibuf [dreg:s9], $0x2FFFF;
	_ =	strace $0x9FFFFFFF  }
0xca: {  	(tm) =	ssettm $0x7FFFFFFF  }
0xcb: {  	_ =	shalt  }
tec
execute0_lowered:
.L_overlay_start_1:
0x0: {  	(tag) =	ssettag $0x1  }
0x1: {  	s1 =	rddreg [dreg:$0x0];
	s2 =	srdreg.scid  }
0x2: {  	s4 =	rddreg [dreg:$0x1];
	s0 =	stileid.u32;
	s23 =	sand.u32 $0x1, s2  }
0x3: {  	s14 =	rddreg [dreg:$0x2];
	s5 =	sshll.u32 s0, $0xA;
	s6 =	sshll.u32 s23, $0x9  }
0x4: {  	s3 =	simm.s32 $0x0;
	s2 =	rddreg [dreg:$0x3];
	s15 =	sor.u32 s6, s5  }
0x5: {  	[smem:$0x7FF] =	sst s3;
	s5 =	sshrl.u32 s15, $0x3  }
0x6: {  	_ =	strace $0x80000047;
	s4 =	sadd.s32 s4, s5;
	s5 =	simm.s32 $0x9  }
0x7: {  	[tilespmem:s3], [sflag:$0x9] =	stream.linear.gather [hbm4b:s4+s3], $0x200, $0x38;
	[tilespmem:$0x10200] =	vst v63  }
0x8: {  	_ =	swait.ge [sflag:s5], $0x200  }
0x9: {  	[sflag:s5] =	ssyncset.done $0x0  }
0xa: {  	s7 =	simm.s32 $0x200;
	s6 =	simm.s32 $0x80;
	[sflag:s5] =	ssyncadd.s32 $0xFFFFFE00  }
0xb: {  	[tilespmem:s7], [sflag:$0x1] =	stream.indirect.gather [hbm4b:s1+s6], $0x80, s3, s6, $0xb8;
	[tilespmem:$0x10200] =	vst v63  }
0xc: {  	s8 =	simm.s32 $0x4200  }
0xd: {  	[tilespmem:s8], [sflag:$0x2] =	stream.indirect.gather [hbm4b:s1+s6], $0x80, s6, s6, $0xb8;
	[tilespmem:$0x10200] =	vst v63  }
0xe: {  	s9 =	simm.s32 $0x100;
	s10 =	simm.s32 $0x8200  }
0xf: {  	[tilespmem:s10], [sflag:$0x3] =	stream.indirect.gather [hbm4b:s1+s6], $0x80, s9, s6, $0xb8;
	[tilespmem:$0x10200] =	vst v63  }
0x10: {  	s11 =	simm.s32 $0x180;
	s12 =	simm.s32 $0xC200;
	s13 =	simm.s32 $0x1  }
0x11: {  	[tilespmem:s12], [sflag:$0x4] =	stream.indirect.gather [hbm4b:s1+s6], $0x80, s11, s6, $0xb8;
	[tilespmem:$0x10200] =	vst v63  }
0x12: {  	_ =	swait.ge [sflag:s13], $0x4000  }
0x13: {  	s15 =	sshll.u32 s15, $0x4;
	[sflag:s13] =	ssyncset.done $0x0  }
0x14: {  	s14 =	sadd.s32 s14, s15;
	s15 =	simm.s32 $0x2;
	[sflag:s13] =	ssyncadd.s32 $0xFFFFC000  }
0x15: {  	[hbm4b:s14+s3] =	stream.linear.scatter [tilespmem:s7], [sflag:$0x5], $0x4000, $0x38;
	[tilespmem:$0x10200] =	vst v63  }
0x16: {  	_ =	swait.ge [sflag:s15], $0x4000  }
0x17: {  	[sflag:s15] =	ssyncset.done $0x0  }
0x18: {  	s17 =	simm.s32 $0x3;
	s16 =	sadd.s32 $0x800, s14;
	[sflag:s15] =	ssyncadd.s32 $0xFFFFC000  }
0x19: {  	[hbm4b:s16+s3] =	stream.linear.scatter [tilespmem:s8], [sflag:$0x6], $0x4000, $0x38;
	[tilespmem:$0x10200] =	vst v63  }
0x1a: {  	_ =	swait.ge [sflag:s17], $0x4000  }
0x1b: {  	[sflag:s17] =	ssyncset.done $0x0  }
0x1c: {  	s19 =	simm.s32 $0x4;
	s18 =	sadd.s32 $0x1000, s14;
	[sflag:s17] =	ssyncadd.s32 $0xFFFFC000  }
0x1d: {  	[hbm4b:s18+s3] =	stream.linear.scatter [tilespmem:s10], [sflag:$0x7], $0x4000, $0x38;
	[tilespmem:$0x10200] =	vst v63  }
0x1e: {  	_ =	swait.ge [sflag:s19], $0x4000  }
0x1f: {  	[sflag:s19] =	ssyncset.done $0x0  }
0x20: {  	s21 =	simm.s32 $0x5;
	s20 =	sadd.s32 $0x1800, s14;
	[sflag:s19] =	ssyncadd.s32 $0xFFFFC000  }
0x21: {  	[hbm4b:s20+s3] =	stream.linear.scatter [tilespmem:s12], [sflag:$0x8], $0x4000, $0x38;
	[tilespmem:$0x10200] =	vst v63  }
0x22: {  	_ =	swait.ge [sflag:s21], $0x4000  }
0x23: {  	s24 =	ssub.s32 $0x2, s23;
	[sflag:s21] =	ssyncset.done $0x0  }
0x24: {  	s22 =	simm.s32 $0x6;
	s25 =	sshrl.u32 s24, $0x1;
	[sflag:s21] =	ssyncadd.s32 $0xFFFFC000  }
0x25: {  	s24 =	ssub.s32 s24, s25;
	_ =	swait.ge [sflag:s22], $0x4000  }
0x26: {  	s25 =	smax.u32 s24, $0x1;
	[sflag:s22] =	ssyncset.done $0x0  }
0x27: {  	s23 =	simm.s32 $0x7;
	p0 =	sne.s32 s25, $0x1;
	[sflag:s22] =	ssyncadd.s32 $0xFFFFC000  }
.Ltmp0:
0x28: {  	_ =	swait.ge [sflag:s23], $0x4000;
	(pc) =	sbr.rel @!p0 .LBB2_2-.Ltmp0, $4  }
0x29: {  	[sflag:s23] =	ssyncset.done $0x0  }
0x2a: {  	s24 =	simm.s32 $0x8;
	[sflag:s23] =	ssyncadd.s32 $0xFFFFC000  }
0x2b: {  	_ =	swait.ge [sflag:s24], $0x4000  }
0x2c: {  	s25 =	sadd.s32 $0xFFFFFFFF, s25;
	[sflag:s24] =	ssyncset.done $0x0  }
.LBB2_1:
0x2d: {  	p0 =	sne.s32 s25, $0x1;
	s25 =	sadd.s32 $0xFFFFFFFF, s25;
	[sflag:s24] =	ssyncadd.s32 $0xFFFFC000  }
0x2e: {  	[tilespmem:s3], [sflag:$0x9] =	stream.linear.gather [hbm4b:s4+s3], $0x200, $0x38;
	[tilespmem:$0x10200] =	vst v63  }
0x2f: {  	_ =	swait.ge [sflag:s5], $0x200  }
0x30: {  	[sflag:s5] =	ssyncset.done $0x0  }
0x31: {  	[sflag:s5] =	ssyncadd.s32 $0xFFFFFE00  }
0x32: {  	[tilespmem:s7], [sflag:$0x1] =	stream.indirect.gather [hbm4b:s1+s6], $0x80, s3, s6, $0xb8;
	[tilespmem:$0x10200] =	vst v63  }
0x33: {  	_ = 	snop  }
0x34: {  	[tilespmem:s8], [sflag:$0x2] =	stream.indirect.gather [hbm4b:s1+s6], $0x80, s6, s6, $0xb8;
	[tilespmem:$0x10200] =	vst v63  }
0x35: {  	_ = 	snop  }
0x36: {  	[tilespmem:s10], [sflag:$0x3] =	stream.indirect.gather [hbm4b:s1+s6], $0x80, s9, s6, $0xb8;
	[tilespmem:$0x10200] =	vst v63  }
0x37: {  	_ = 	snop  }
0x38: {  	[tilespmem:s12], [sflag:$0x4] =	stream.indirect.gather [hbm4b:s1+s6], $0x80, s11, s6, $0xb8;
	[tilespmem:$0x10200] =	vst v63  }
0x39: {  	_ =	swait.ge [sflag:s13], $0x4000  }
0x3a: {  	[sflag:s13] =	ssyncset.done $0x0  }
0x3b: {  	[sflag:s13] =	ssyncadd.s32 $0xFFFFC000  }
0x3c: {  	[hbm4b:s14+s3] =	stream.linear.scatter [tilespmem:s7], [sflag:$0x5], $0x4000, $0x38;
	[tilespmem:$0x10200] =	vst v63  }
0x3d: {  	_ =	swait.ge [sflag:s15], $0x4000  }
0x3e: {  	[sflag:s15] =	ssyncset.done $0x0  }
0x3f: {  	[sflag:s15] =	ssyncadd.s32 $0xFFFFC000  }
0x40: {  	[hbm4b:s16+s3] =	stream.linear.scatter [tilespmem:s8], [sflag:$0x6], $0x4000, $0x38;
	[tilespmem:$0x10200] =	vst v63  }
0x41: {  	_ =	swait.ge [sflag:s17], $0x4000  }
0x42: {  	[sflag:s17] =	ssyncset.done $0x0  }
0x43: {  	[sflag:s17] =	ssyncadd.s32 $0xFFFFC000  }
0x44: {  	[hbm4b:s18+s3] =	stream.linear.scatter [tilespmem:s10], [sflag:$0x7], $0x4000, $0x38;
	[tilespmem:$0x10200] =	vst v63  }
0x45: {  	_ =	swait.ge [sflag:s19], $0x4000  }
0x46: {  	[sflag:s19] =	ssyncset.done $0x0  }
0x47: {  	[sflag:s19] =	ssyncadd.s32 $0xFFFFC000  }
0x48: {  	[hbm4b:s20+s3] =	stream.linear.scatter [tilespmem:s12], [sflag:$0x8], $0x4000, $0x38;
	[tilespmem:$0x10200] =	vst v63  }
0x49: {  	_ =	swait.ge [sflag:s21], $0x4000  }
0x4a: {  	[sflag:s21] =	ssyncset.done $0x0  }
0x4b: {  	[sflag:s21] =	ssyncadd.s32 $0xFFFFC000  }
0x4c: {  	_ =	swait.ge [sflag:s22], $0x4000  }
0x4d: {  	[sflag:s22] =	ssyncset.done $0x0  }
0x4e: {  	[sflag:s22] =	ssyncadd.s32 $0xFFFFC000  }
.Ltmp1:
0x4f: {  	_ =	swait.ge [sflag:s23], $0x4000;
	(pc) =	sbr.rel @p0 .LBB2_1-.Ltmp1, $4  }
0x50: {  	[sflag:s23] =	ssyncset.done $0x0  }
0x51: {  	[sflag:s23] =	ssyncadd.s32 $0xFFFFC000  }
0x52: {  	_ =	swait.ge [sflag:s24], $0x4000  }
0x53: {  	[sflag:s24] =	ssyncset.done $0x0  }
.LBB2_2:
0x54: {  	[sflag:s24] =	ssyncadd.s32 $0xFFFFC000  }
0x55: {  	_ =	sfence.sel $0x180000  }
0x56: {  	[bflag:$0x0] =	sbarrier.arrive $0xFFFF  }
0x57: {  	p0 =	sne.s32 s0, $0x0;
	_ =	strace $0x90000047  }
0x58: {  	s0 =	sadd.s32 @!p0 $0x100000, s2;
	[bflag:$0x2] =	sbarrier.arrive $0xFFFF  }
0x59: {  	[sflag:s0] =	ssyncadd.tile.s32 @!p0 $0x1;
	_ =	shalt  }
.Lfunc_end2:
_tile_overlayer_lowered:
.L_overlay_start_2:
0x5a: {  	(tag) =	ssettag $0x2  }
0x5b: {  	s0 =	rddreg [dreg:$0x0];
	s2 =	stileid.u32  }
0x5c: {  	s1 =	rddreg [dreg:$0x1];
	p0 =	sne.s32 s2, $0x0  }
0x5d: {  	s3 =	rddreg [dreg:$0x2];
	[bflag:$0x3] =	sbarrier.arrive $0xFFFF;
	s2 =	simm.s32 @!p0 $0x1C09  }
0x5e: {  	[timem:s3], [sflag:s2] =	dma.local @!p0 [hbm:s0], s1  }
0x5f: {  	s0 =	simm.s32 @!p0 $0x9  }
0x60: {  	_ =	swait.ge @!p0 [sflag:s0], s1  }
0x61: {  	s1 =	ssub.s32 @!p0 $0x0, s1;
	[sflag:s0] =	ssyncset.done @!p0 $0x0  }
0x62: {  	[sflag:s0] =	ssyncadd.s32 @!p0 s1  }
0x63: {  	[bflag:$0x3] =	sbarrier.arrive $0xFFFF  }
0x64: {  	_ =	shalt  }

</sc_bundles>
